<compile_context>
chip_gen: v7x
topology: tpu7x:2x2x1
jax: 0.10.2.dev20260603
libtpu: 0.0.44.dev20260713+nightly
codegen_flags: <defaults>
</compile_context>

<pallas_src>
import functools

import jax
import jax.numpy as jnp
from jax import lax
from jax.experimental import pallas as pl
from jax.experimental.pallas import tpu as pltpu
from jax.experimental.pallas import tpu_sc as plsc

VOCAB = 100000
EMBED = 128
CONTEXT = 200
HIDDEN = 128

B_PER_W = 16
NW_USED = 16
B_PAD = B_PER_W * NW_USED

K_BLK = 3200
NK = (CONTEXT * EMBED) // K_BLK
V_BLK = 8192
NV = -(-VOCAB // V_BLK)
P1 = NK
P2 = NK + NV
NSTEPS = NK + 2 * NV


def _gather_sc(idx_pad, table):
    mesh = plsc.VectorSubcoreMesh(core_axis_name="c", subcore_axis_name="s",
                                  num_cores=1)

    @functools.partial(
        pl.kernel,
        out_type=jax.ShapeDtypeStruct((B_PAD, EMBED), jnp.float32),
        mesh=mesh,
        scratch_types=[
            pltpu.VMEM((B_PER_W,), jnp.int32),
            pltpu.VMEM((B_PER_W, EMBED), jnp.float32),
            pltpu.SemaphoreType.DMA,
        ],
    )
    def gather(idx_hbm, table_hbm, out_hbm, idx_v, rows_v, sem):
        wid = lax.axis_index("s")
        base = wid * B_PER_W
        pltpu.sync_copy(idx_hbm.at[pl.ds(base, B_PER_W)], idx_v)
        pltpu.async_copy(table_hbm.at[idx_v], rows_v, sem).wait()
        pltpu.sync_copy(rows_v, out_hbm.at[pl.ds(base, B_PER_W)])

    return gather(idx_pad, table)


def _fused_tc(e_flat, W1, b1_row, W2, b2_row):
    def body(e_ref, w1_ref, b1_ref, w2_ref, b2_ref, out_ref,
             acc_ref, logits_ref, m_ref, s_ref):
        i = pl.program_id(0)

        @pl.when(i < P1)
        def _():
            @pl.when(i == 0)
            def _():
                acc_ref[...] = jnp.zeros_like(acc_ref)

            acc_ref[...] += jnp.dot(e_ref[...], w1_ref[...],
                                    preferred_element_type=jnp.float32)

            @pl.when(i == P1 - 1)
            def _():
                acc_ref[...] = jnp.maximum(acc_ref[...] + b1_ref[...], 0.0)

        @pl.when((i >= P1) & (i < P2))
        def _():
            j = i - P1
            z = jnp.dot(acc_ref[...], w2_ref[...],
                        preferred_element_type=jnp.float32) + b2_ref[...]
            logits_ref[pl.ds(j, 1), :] = z
            col = j * V_BLK + lax.broadcasted_iota(jnp.int32, (1, V_BLK), 1)
            zm = jnp.where(col < VOCAB, z, -jnp.inf)
            bm = jnp.max(zm)

            @pl.when(j == 0)
            def _():
                m_ref[0] = bm
                s_ref[0] = jnp.sum(jnp.exp(zm - bm))

            @pl.when(j > 0)
            def _():
                m_old = m_ref[0]
                new_m = jnp.maximum(m_old, bm)
                s_ref[0] = s_ref[0] * jnp.exp(m_old - new_m) + \
                    jnp.sum(jnp.exp(zm - new_m))
                m_ref[0] = new_m

        @pl.when(i >= P2)
        def _():
            j = i - P2
            norm = m_ref[0] + jnp.log(s_ref[0])
            out_ref[...] = logits_ref[pl.ds(j, 1), :] - norm

    return pl.pallas_call(
        body,
        grid=(NSTEPS,),
        in_specs=[
            pl.BlockSpec((1, K_BLK),
                         lambda i: (0, jnp.minimum(i, P1 - 1))),
            pl.BlockSpec((K_BLK, HIDDEN),
                         lambda i: (jnp.minimum(i, P1 - 1), 0)),
            pl.BlockSpec((1, HIDDEN), lambda i: (0, 0)),
            pl.BlockSpec((HIDDEN, V_BLK),
                         lambda i: (0, jnp.clip(i - P1, 0, NV - 1))),
            pl.BlockSpec((1, V_BLK),
                         lambda i: (0, jnp.clip(i - P1, 0, NV - 1))),
        ],
        out_specs=pl.BlockSpec((1, V_BLK),
                               lambda i: (0, jnp.clip(i - P2, 0, NV - 1))),
        out_shape=jax.ShapeDtypeStruct((1, VOCAB), jnp.float32),
        scratch_shapes=[
            pltpu.VMEM((1, HIDDEN), jnp.float32),
            pltpu.VMEM((NV, V_BLK), jnp.float32),
            pltpu.SMEM((1,), jnp.float32),
            pltpu.SMEM((1,), jnp.float32),
        ],
    )(e_flat, W1, b1_row, W2, b2_row)


def kernel(idx, table, W1, b1, W2, b2):
    idx_pad = jnp.zeros((B_PAD,), jnp.int32).at[:CONTEXT].set(
        idx.astype(jnp.int32))
    rows = _gather_sc(idx_pad, table)
    e_flat = rows[:CONTEXT].reshape(1, CONTEXT * EMBED)
    return _fused_tc(e_flat, W1, b1.reshape(1, HIDDEN),
                     W2, b2.reshape(1, VOCAB))

# --- scband reference (transcript-rebuilt; emitter-appended) ---
"""Pipeline reference for scband-ngram-language-modeler-51445118272136 (READ-ONLY COPY).

The authoritative reference and input builder live on the scoring server;
editing this copy changes nothing except your own understanding.
"""

import jax, jax.numpy as jnp
import numpy as np

VOCAB = 100000
EMBED = 128
CONTEXT = 200
HIDDEN = 128


def setup_inputs(seed: int = 0) -> dict:
    key = jax.random.key(seed)
    k_idx, k_tab, k_w1, k_b1, k_w2, k_b2 = jax.random.split(key, 6)
    idx = jax.random.randint(k_idx, (CONTEXT,), 0, VOCAB, dtype=jnp.int64 if jax.config.jax_enable_x64 else jnp.int32)
    table = jax.random.normal(k_tab, (VOCAB, EMBED), dtype=jnp.float32) * 0.02
    W1 = jax.random.normal(k_w1, (CONTEXT * EMBED, HIDDEN), dtype=jnp.float32) * 0.02
    b1 = jnp.zeros((HIDDEN,), dtype=jnp.float32)
    W2 = jax.random.normal(k_w2, (HIDDEN, VOCAB), dtype=jnp.float32) * 0.02
    b2 = jnp.zeros((VOCAB,), dtype=jnp.float32)
    return {"idx": idx, "table": table, "W1": W1, "b1": b1, "W2": W2, "b2": b2}


def reference(idx, table, W1, b1, W2, b2):
    # embedding lookup (SparseCore gather) then view(1, -1)
    embeds = jnp.take(table, idx, axis=0).reshape(1, -1)
    out = jax.nn.relu(embeds @ W1 + b1)
    out = out @ W2 + b2
    log_probs = jax.nn.log_softmax(out, axis=1)
    return log_probs

if __name__ == "__main__":
    import jax
    _d = setup_inputs()
    print(jax.jit(kernel)(*tuple(_d.values())))

</pallas_src>

<mosaic_0001>
#map = affine_map<(d0, d1) -> (0)>
#map1 = affine_map<(d0, d1) -> (0, 0)>
module attributes {stable_mosaic.version = 14 : i64} {
  func.func @gather(%arg0: i32, %arg1: i32, %arg2: memref<256xi32, #tpu.memory_space<hbm>>, %arg3: memref<100000x128xf32, #tpu.memory_space<hbm>>, %arg4: memref<256x128xf32, #tpu.memory_space<hbm>>, %arg5: memref<16xi32, #tpu.memory_space<vmem>>, %arg6: memref<16x128xf32, #tpu.memory_space<vmem>>, %arg7: memref<!tpu.dma_semaphore, #tpu.memory_space<semaphore_mem>>) attributes {dimension_semantics = [#tpu.dimension_semantics<core_parallel>, #tpu.dimension_semantics<subcore_parallel>], iteration_bounds = array<i64: 1, 16>, scalar_prefetch = 0 : i64, scratch_operands = 3 : i64, tpu.core_type = #tpu.core_type<sc_vector_subcore>, window_params = [{transform_indices = #map}, {transform_indices = #map1}, {transform_indices = #map1}]} {
    %mul3A = arith.constant 16 : i32
    %mul3A_0 = arith.muli %arg1, %mul3A : i32
    "tpu.region"() ({
      %run_scoped3A = tpu.sem_alloc : memref<!tpu.dma_semaphore, #tpu.memory_space<semaphore_mem>>
      %dma_start3A_5 = tpu.memref_slice %arg2[%mul3A_0] : memref<256xi32, #tpu.memory_space<hbm>> -> memref<16xi32, #tpu.memory_space<hbm>>
      %dma_start3A_6 = tpu.memref_slice %arg2[%mul3A_0] : memref<256xi32, #tpu.memory_space<hbm>> -> memref<16xi32, #tpu.memory_space<hbm>>
      tpu.enqueue_dma source(%dma_start3A_6 : memref<16xi32, #tpu.memory_space<hbm>>) target(%arg5 : memref<16xi32, #tpu.memory_space<vmem>>) target_semaphore(%run_scoped3A : memref<!tpu.dma_semaphore, #tpu.memory_space<semaphore_mem>>)
      %dma_wait3A_7 = tpu.memref_slice %arg2[%mul3A_0] : memref<256xi32, #tpu.memory_space<hbm>> -> memref<16xi32, #tpu.memory_space<hbm>>
      %dma_wait3A_8 = tpu.memref_slice %arg2[%mul3A_0] : memref<256xi32, #tpu.memory_space<hbm>> -> memref<16xi32, #tpu.memory_space<hbm>>
      tpu.wait_dma2 semaphore(%run_scoped3A : memref<!tpu.dma_semaphore, #tpu.memory_space<semaphore_mem>>) src(%dma_wait3A_8 : memref<16xi32, #tpu.memory_space<hbm>>) dst(%arg5 : memref<16xi32, #tpu.memory_space<vmem>>)
      tpu.yield
    }) : () -> ()
    %dma_start3A = arith.constant 0 : i32
    %dma_start3A_1 = arith.constant 0 : i32
    %dma_start3A_2 = tpu.memref_slice %arg3[%dma_start3A, %dma_start3A_1] : memref<100000x128xf32, #tpu.memory_space<hbm>> -> memref<100000x128xf32, #tpu.memory_space<hbm>>
    tpu.enqueue_indirect_dma source(%dma_start3A_2 : memref<100000x128xf32, #tpu.memory_space<hbm>>) target(%arg6 : memref<16x128xf32, #tpu.memory_space<vmem>>) offsets(%arg5 : memref<16xi32, #tpu.memory_space<vmem>>) semaphore(%arg7 : memref<!tpu.dma_semaphore, #tpu.memory_space<semaphore_mem>>)
    %dma_wait3A = arith.constant 0 : i32
    %dma_wait3A_3 = arith.constant 0 : i32
    %dma_wait3A_4 = tpu.memref_slice %arg3[%dma_wait3A, %dma_wait3A_3] : memref<100000x128xf32, #tpu.memory_space<hbm>> -> memref<100000x128xf32, #tpu.memory_space<hbm>>
    tpu.wait_indirect_dma semaphore(%arg7 : memref<!tpu.dma_semaphore, #tpu.memory_space<semaphore_mem>>) src(%dma_wait3A_4 : memref<100000x128xf32, #tpu.memory_space<hbm>>) dst(%arg6 : memref<16x128xf32, #tpu.memory_space<vmem>>)
    "tpu.region"() ({
      %run_scoped3A = tpu.sem_alloc : memref<!tpu.dma_semaphore, #tpu.memory_space<semaphore_mem>>
      %dma_start3A_5 = arith.constant 0 : i32
      %dma_start3A_6 = tpu.memref_slice %arg4[%mul3A_0, %dma_start3A_5] : memref<256x128xf32, #tpu.memory_space<hbm>> -> memref<16x128xf32, #tpu.memory_space<hbm>>
      %dma_start3A_7 = arith.constant 0 : i32
      %dma_start3A_8 = tpu.memref_slice %arg4[%mul3A_0, %dma_start3A_7] : memref<256x128xf32, #tpu.memory_space<hbm>> -> memref<16x128xf32, #tpu.memory_space<hbm>>
      tpu.enqueue_dma source(%arg6 : memref<16x128xf32, #tpu.memory_space<vmem>>) target(%dma_start3A_8 : memref<16x128xf32, #tpu.memory_space<hbm>>) target_semaphore(%run_scoped3A : memref<!tpu.dma_semaphore, #tpu.memory_space<semaphore_mem>>)
      %dma_wait3A_9 = arith.constant 0 : i32
      %dma_wait3A_10 = tpu.memref_slice %arg4[%mul3A_0, %dma_wait3A_9] : memref<256x128xf32, #tpu.memory_space<hbm>> -> memref<16x128xf32, #tpu.memory_space<hbm>>
      %dma_wait3A_11 = arith.constant 0 : i32
      %dma_wait3A_12 = tpu.memref_slice %arg4[%mul3A_0, %dma_wait3A_11] : memref<256x128xf32, #tpu.memory_space<hbm>> -> memref<16x128xf32, #tpu.memory_space<hbm>>
      tpu.wait_dma2 semaphore(%run_scoped3A : memref<!tpu.dma_semaphore, #tpu.memory_space<semaphore_mem>>) src(%arg6 : memref<16x128xf32, #tpu.memory_space<vmem>>) dst(%dma_wait3A_12 : memref<16x128xf32, #tpu.memory_space<hbm>>)
      tpu.yield
    }) : () -> ()
    return
  }
}

module attributes {stable_mosaic.version = 14 : i64} {
  func.func @body(%arg0: i32, %arg1: memref<1x3200xf32, #tpu.memory_space<vmem>>, %arg2: memref<3200x128xf32, #tpu.memory_space<vmem>>, %arg3: memref<1x128xf32, #tpu.memory_space<vmem>>, %arg4: memref<128x8192xf32, #tpu.memory_space<vmem>>, %arg5: memref<1x8192xf32, #tpu.memory_space<vmem>>, %arg6: memref<1x8192xf32, #tpu.memory_space<vmem>>, %arg7: memref<1x128xf32, #tpu.memory_space<vmem>>, %arg8: memref<13x8192xf32, #tpu.memory_space<vmem>>, %arg9: memref<1xf32, #tpu.memory_space<smem>>, %arg10: memref<1xf32, #tpu.memory_space<smem>>) attributes {dimension_semantics = [#tpu.dimension_semantics<arbitrary>], iteration_bounds = array<i64: 34>, scalar_prefetch = 0 : i64, scratch_operands = 4 : i64, tpu.core_type = #tpu.core_type<tc>, window_params = [{transform_indices = @transform_0, window_bounds = array<i64: 1, 3200>}, {transform_indices = @transform_1, window_bounds = array<i64: 3200, 128>}, {pipeline_mode = #tpu.pipeline_mode<synchronous>, transform_indices = @transform_2, window_bounds = array<i64: 1, 128>}, {transform_indices = @transform_3, window_bounds = array<i64: 128, 8192>}, {transform_indices = @transform_4, window_bounds = array<i64: 1, 8192>}, {transform_indices = @transform_5, window_bounds = array<i64: 1, 8192>}]} {
    %lt3A = arith.constant 8 : i32
    %lt3A_0 = arith.cmpi slt, %arg0, %lt3A : i32
    %convert_element_type3A = arith.extui %lt3A_0 : i1 to i32
    %cond3A = arith.constant 0 : i32
    %cond3A_1 = arith.cmpi ne, %convert_element_type3A, %cond3A : i32
    scf.if %cond3A_1 {
      %eq3A = arith.constant 0 : i32
      %eq3A_13 = arith.cmpi eq, %arg0, %eq3A : i32
      %convert_element_type3A_14 = arith.extui %eq3A_13 : i1 to i32
      %cond3A_15 = arith.constant 0 : i32
      %cond3A_16 = arith.cmpi ne, %convert_element_type3A_14, %cond3A_15 : i32
      scf.if %cond3A_16 {
        %broadcast_in_dim3A = arith.constant 0.000000e+00 : f32
        %broadcast_in_dim3A_33 = vector.broadcast %broadcast_in_dim3A : f32 to vector<1x128xf32>
        %swap3A_34 = arith.constant 0 : index
        %swap3A_35 = arith.constant 0 : index
        %swap3A_36 = vector.load %arg7[%swap3A_34, %swap3A_35] : memref<1x128xf32, #tpu.memory_space<vmem>>, vector<1x128xf32>
        tpu.vector_store %arg7[%swap3A_34, %swap3A_35], %broadcast_in_dim3A_33 {strides = array<i32>} : memref<1x128xf32, #tpu.memory_space<vmem>>, vector<1x128xf32>,
      } else {
      }
      %get3A = arith.constant 0 : index
      %get3A_17 = arith.constant 0 : index
      %get3A_18 = vector.load %arg7[%get3A, %get3A_17] : memref<1x128xf32, #tpu.memory_space<vmem>>, vector<1x128xf32>
      %get3A_19 = arith.constant 0 : index
      %get3A_20 = arith.constant 0 : index
      %get3A_21 = vector.load %arg1[%get3A_19, %get3A_20] : memref<1x3200xf32, #tpu.memory_space<vmem>>, vector<1x3200xf32>
      %get3A_22 = arith.constant 0 : index
      %get3A_23 = arith.constant 0 : index
      %get3A_24 = vector.load %arg2[%get3A_22, %get3A_23] : memref<3200x128xf32, #tpu.memory_space<vmem>>, vector<3200x128xf32>
      %dot_general3A = arith.constant dense<0.000000e+00> : vector<1x128xf32>
      %dot_general3A_25 = tpu.matmul %get3A_21, %get3A_24, %dot_general3A {dimension_numbers = #tpu.dot_dimension_numbers<[1], [0], [0], [1], [0, 0, 1, 1], [], []>, transpose_lhs_hint = false} : vector<1x3200xf32>, vector<3200x128xf32>, vector<1x128xf32> -> vector<1x128xf32>
      %add3A = arith.addf %get3A_18, %dot_general3A_25 : vector<1x128xf32>
      %swap3A = arith.constant 0 : index
      %swap3A_26 = arith.constant 0 : index
      %swap3A_27 = vector.load %arg7[%swap3A, %swap3A_26] : memref<1x128xf32, #tpu.memory_space<vmem>>, vector<1x128xf32>
      tpu.vector_store %arg7[%swap3A, %swap3A_26], %add3A {strides = array<i32>} : memref<1x128xf32, #tpu.memory_space<vmem>>, vector<1x128xf32>,
      %eq3A_28 = arith.constant 7 : i32
      %eq3A_29 = arith.cmpi eq, %arg0, %eq3A_28 : i32
      %convert_element_type3A_30 = arith.extui %eq3A_29 : i1 to i32
      %cond3A_31 = arith.constant 0 : i32
      %cond3A_32 = arith.cmpi ne, %convert_element_type3A_30, %cond3A_31 : i32
      scf.if %cond3A_32 {
        %get3A_33 = arith.constant 0 : index
        %get3A_34 = arith.constant 0 : index
        %get3A_35 = vector.load %arg7[%get3A_33, %get3A_34] : memref<1x128xf32, #tpu.memory_space<vmem>>, vector<1x128xf32>
        %get3A_36 = arith.constant 0 : index
        %get3A_37 = arith.constant 0 : index
        %get3A_38 = vector.load %arg3[%get3A_36, %get3A_37] : memref<1x128xf32, #tpu.memory_space<vmem>>, vector<1x128xf32>
        %add3A_39 = arith.addf %get3A_35, %get3A_38 : vector<1x128xf32>
        %max3A = arith.constant 0.000000e+00 : f32
        %max3A_40 = vector.broadcast %max3A : f32 to vector<1x128xf32>
        %max3A_41 = arith.maximumf %add3A_39, %max3A_40 : vector<1x128xf32>
        %swap3A_42 = arith.constant 0 : index
        %swap3A_43 = arith.constant 0 : index
        %swap3A_44 = vector.load %arg7[%swap3A_42, %swap3A_43] : memref<1x128xf32, #tpu.memory_space<vmem>>, vector<1x128xf32>
        tpu.vector_store %arg7[%swap3A_42, %swap3A_43], %max3A_41 {strides = array<i32>} : memref<1x128xf32, #tpu.memory_space<vmem>>, vector<1x128xf32>,
      } else {
      }
    } else {
    }
    %ge3A = arith.constant 8 : i32
    %ge3A_2 = arith.cmpi sge, %arg0, %ge3A : i32
    %lt3A_3 = arith.constant 21 : i32
    %lt3A_4 = arith.cmpi slt, %arg0, %lt3A_3 : i32
    %and3A = arith.andi %ge3A_2, %lt3A_4 : i1
    %convert_element_type3A_5 = arith.extui %and3A : i1 to i32
    %cond3A_6 = arith.constant 0 : i32
    %cond3A_7 = arith.cmpi ne, %convert_element_type3A_5, %cond3A_6 : i32
    scf.if %cond3A_7 {
      %sub3A = arith.constant 8 : i32
      %sub3A_13 = arith.subi %arg0, %sub3A : i32
      %get3A = arith.constant 0 : index
      %get3A_14 = arith.constant 0 : index
      %get3A_15 = vector.load %arg7[%get3A, %get3A_14] : memref<1x128xf32, #tpu.memory_space<vmem>>, vector<1x128xf32>
      %get3A_16 = arith.constant 0 : index
      %get3A_17 = arith.constant 0 : index
      %get3A_18 = vector.load %arg4[%get3A_16, %get3A_17] : memref<128x8192xf32, #tpu.memory_space<vmem>>, vector<128x8192xf32>
      %dot_general3A = arith.constant dense<0.000000e+00> : vector<1x8192xf32>
      %dot_general3A_19 = tpu.matmul %get3A_15, %get3A_18, %dot_general3A {dimension_numbers = #tpu.dot_dimension_numbers<[1], [0], [0], [1], [0, 0, 1, 1], [], []>, transpose_lhs_hint = false} : vector<1x128xf32>, vector<128x8192xf32>, vector<1x8192xf32> -> vector<1x8192xf32>
      %get3A_20 = arith.constant 0 : index
      %get3A_21 = arith.constant 0 : index
      %get3A_22 = vector.load %arg5[%get3A_20, %get3A_21] : memref<1x8192xf32, #tpu.memory_space<vmem>>, vector<1x8192xf32>
      %add3A = arith.addf %dot_general3A_19, %get3A_22 : vector<1x8192xf32>
      %swap3A = arith.index_cast %sub3A_13 : i32 to index
      %swap3A_23 = arith.constant 0 : index
      %swap3A_24 = vector.load %arg8[%swap3A, %swap3A_23] : memref<13x8192xf32, #tpu.memory_space<vmem>>, vector<1x8192xf32>
      tpu.vector_store %arg8[%swap3A, %swap3A_23], %add3A {strides = array<i32>} : memref<13x8192xf32, #tpu.memory_space<vmem>>, vector<1x8192xf32>,
      %mul3A = arith.constant 8192 : i32
      %mul3A_25 = arith.muli %sub3A_13, %mul3A : i32
      %iota3A = tpu.iota {dimensions = array<i32: 1>} : vector<1x8192xi32>
      %add3A_26 = vector.broadcast %mul3A_25 : i32 to vector<1x8192xi32>
      %add3A_27 = arith.addi %add3A_26, %iota3A : vector<1x8192xi32>
      %lt3A_28 = arith.constant 100000 : i32
      %lt3A_29 = vector.broadcast %lt3A_28 : i32 to vector<1x8192xi32>
      %lt3A_30 = arith.cmpi slt, %add3A_27, %lt3A_29 : vector<1x8192xi32>
      %jit3A = arith.constant 0xFF800000 : f32
      %broadcast_in_dim3A = vector.broadcast %jit3A : f32 to vector<1x8192xf32>
      %select_n3A = arith.select %lt3A_30, %add3A, %broadcast_in_dim3A : vector<1x8192xi1>, vector<1x8192xf32>
      %reduce_max3A = vector.shape_cast %select_n3A : vector<1x8192xf32> to vector<1x1x8192xf32>
      %reduce_max3A_31 = arith.constant dense<0xFF800000> : vector<1xf32>
      %reduce_max3A_32 = vector.multi_reduction <maximumf>, %reduce_max3A, %reduce_max3A_31 [1, 2] : vector<1x1x8192xf32> to vector<1xf32>
      %reduce_max3A_33 = vector.shape_cast %reduce_max3A_32 : vector<1xf32> to vector<1x1x1xf32>
      %reduce_max3A_34 = vector.extract %reduce_max3A_33[0, 0, 0] : f32 from vector<1x1x1xf32>
      %eq3A = arith.constant 0 : i32
      %eq3A_35 = arith.cmpi eq, %sub3A_13, %eq3A : i32
      %convert_element_type3A_36 = arith.extui %eq3A_35 : i1 to i32
      %cond3A_37 = arith.constant 0 : i32
      %cond3A_38 = arith.cmpi ne, %convert_element_type3A_36, %cond3A_37 : i32
      scf.if %cond3A_38 {
        %swap3A_43 = arith.constant 0 : index
        %swap3A_44 = memref.load %arg9[%swap3A_43] : memref<1xf32, #tpu.memory_space<smem>>
        memref.store %reduce_max3A_34, %arg9[%swap3A_43] : memref<1xf32, #tpu.memory_space<smem>>
        %sub3A_45 = vector.broadcast %reduce_max3A_34 : f32 to vector<1x8192xf32>
        %sub3A_46 = arith.subf %select_n3A, %sub3A_45 : vector<1x8192xf32>
        %exp3A = math.exp %sub3A_46 : vector<1x8192xf32>
        %reduce_sum3A = vector.shape_cast %exp3A : vector<1x8192xf32> to vector<1x1x8192xf32>
        %reduce_sum3A_47 = arith.constant dense<0.000000e+00> : vector<1xf32>
        %reduce_sum3A_48 = vector.multi_reduction <add>, %reduce_sum3A, %reduce_sum3A_47 [1, 2] : vector<1x1x8192xf32> to vector<1xf32>
        %reduce_sum3A_49 = vector.shape_cast %reduce_sum3A_48 : vector<1xf32> to vector<1x1x1xf32>
        %reduce_sum3A_50 = vector.extract %reduce_sum3A_49[0, 0, 0] : f32 from vector<1x1x1xf32>
        %swap3A_51 = arith.constant 0 : index
        %swap3A_52 = memref.load %arg10[%swap3A_51] : memref<1xf32, #tpu.memory_space<smem>>
        memref.store %reduce_sum3A_50, %arg10[%swap3A_51] : memref<1xf32, #tpu.memory_space<smem>>
      } else {
      }
      %gt3A = arith.constant 0 : i32
      %gt3A_39 = arith.cmpi sgt, %sub3A_13, %gt3A : i32
      %convert_element_type3A_40 = arith.extui %gt3A_39 : i1 to i32
      %cond3A_41 = arith.constant 0 : i32
      %cond3A_42 = arith.cmpi ne, %convert_element_type3A_40, %cond3A_41 : i32
      scf.if %cond3A_42 {
        %get3A_43 = arith.constant 0 : index
        %get3A_44 = memref.load %arg9[%get3A_43] : memref<1xf32, #tpu.memory_space<smem>>
        %max3A = arith.maximumf %get3A_44, %reduce_max3A_34 : f32
        %get3A_45 = arith.constant 0 : index
        %get3A_46 = memref.load %arg10[%get3A_45] : memref<1xf32, #tpu.memory_space<smem>>
        %sub3A_47 = arith.subf %get3A_44, %max3A : f32
        %exp3A = math.exp %sub3A_47 : f32
        %mul3A_48 = arith.mulf %get3A_46, %exp3A : f32
        %sub3A_49 = vector.broadcast %max3A : f32 to vector<1x8192xf32>
        %sub3A_50 = arith.subf %select_n3A, %sub3A_49 : vector<1x8192xf32>
        %exp3A_51 = math.exp %sub3A_50 : vector<1x8192xf32>
        %reduce_sum3A = vector.shape_cast %exp3A_51 : vector<1x8192xf32> to vector<1x1x8192xf32>
        %reduce_sum3A_52 = arith.constant dense<0.000000e+00> : vector<1xf32>
        %reduce_sum3A_53 = vector.multi_reduction <add>, %reduce_sum3A, %reduce_sum3A_52 [1, 2] : vector<1x1x8192xf32> to vector<1xf32>
        %reduce_sum3A_54 = vector.shape_cast %reduce_sum3A_53 : vector<1xf32> to vector<1x1x1xf32>
        %reduce_sum3A_55 = vector.extract %reduce_sum3A_54[0, 0, 0] : f32 from vector<1x1x1xf32>
        %add3A_56 = arith.addf %mul3A_48, %reduce_sum3A_55 : f32
        %swap3A_57 = arith.constant 0 : index
        %swap3A_58 = memref.load %arg10[%swap3A_57] : memref<1xf32, #tpu.memory_space<smem>>
        memref.store %add3A_56, %arg10[%swap3A_57] : memref<1xf32, #tpu.memory_space<smem>>
        %swap3A_59 = arith.constant 0 : index
        %swap3A_60 = memref.load %arg9[%swap3A_59] : memref<1xf32, #tpu.memory_space<smem>>
        memref.store %max3A, %arg9[%swap3A_59] : memref<1xf32, #tpu.memory_space<smem>>
      } else {
      }
    } else {
    }
    %ge3A_8 = arith.constant 21 : i32
    %ge3A_9 = arith.cmpi sge, %arg0, %ge3A_8 : i32
    %convert_element_type3A_10 = arith.extui %ge3A_9 : i1 to i32
    %cond3A_11 = arith.constant 0 : i32
    %cond3A_12 = arith.cmpi ne, %convert_element_type3A_10, %cond3A_11 : i32
    scf.if %cond3A_12 {
      %sub3A = arith.constant 21 : i32
      %sub3A_13 = arith.subi %arg0, %sub3A : i32
      %get3A = arith.constant 0 : index
      %get3A_14 = memref.load %arg9[%get3A] : memref<1xf32, #tpu.memory_space<smem>>
      %get3A_15 = arith.constant 0 : index
      %get3A_16 = memref.load %arg10[%get3A_15] : memref<1xf32, #tpu.memory_space<smem>>
      %log3A = math.log %get3A_16 : f32
      %add3A = arith.addf %get3A_14, %log3A : f32
      %get3A_17 = arith.index_cast %sub3A_13 : i32 to index
      %get3A_18 = arith.constant 0 : index
      %get3A_19 = vector.load %arg8[%get3A_17, %get3A_18] : memref<13x8192xf32, #tpu.memory_space<vmem>>, vector<1x8192xf32>
      %sub3A_20 = vector.broadcast %add3A : f32 to vector<1x8192xf32>
      %sub3A_21 = arith.subf %get3A_19, %sub3A_20 : vector<1x8192xf32>
      %swap3A = arith.constant 0 : index
      %swap3A_22 = arith.constant 0 : index
      %swap3A_23 = vector.load %arg6[%swap3A, %swap3A_22] : memref<1x8192xf32, #tpu.memory_space<vmem>>, vector<1x8192xf32>
      tpu.vector_store %arg6[%swap3A, %swap3A_22], %sub3A_21 {strides = array<i32>} : memref<1x8192xf32, #tpu.memory_space<vmem>>, vector<1x8192xf32>,
    } else {
    }
    return
  }
  func.func @transform_0(%arg0: i32) -> (i32, i32) {
    %min3A = arith.constant 7 : i32
    %min3A_0 = arith.minsi %arg0, %min3A : i32
    %c0_i32 = arith.constant 0 : i32
    %c0_i32_1 = arith.constant 0 : i32
    return %c0_i32, %min3A_0 : i32, i32
  }
  func.func @transform_1(%arg0: i32) -> (i32, i32) {
    %min3A = arith.constant 7 : i32
    %min3A_0 = arith.minsi %arg0, %min3A : i32
    %c0_i32 = arith.constant 0 : i32
    %c0_i32_1 = arith.constant 0 : i32
    return %min3A_0, %c0_i32 : i32, i32
  }
  func.func @transform_2(%arg0: i32) -> (i32, i32) {
    %c0_i32 = arith.constant 0 : i32
    %c0_i32_0 = arith.constant 0 : i32
    %c0_i32_1 = arith.constant 0 : i32
    return %c0_i32, %c0_i32_0 : i32, i32
  }
  func.func @transform_3(%arg0: i32) -> (i32, i32) {
    %sub3A = arith.constant 8 : i32
    %sub3A_0 = arith.subi %arg0, %sub3A : i32
    %jit3A = arith.constant 0 : i32
    %jit3A_1 = arith.constant 12 : i32
    %max3A = arith.maxsi %jit3A, %sub3A_0 : i32
    %min3A = arith.minsi %jit3A_1, %max3A : i32
    %c0_i32 = arith.constant 0 : i32
    %c0_i32_2 = arith.constant 0 : i32
    return %c0_i32, %min3A : i32, i32
  }
  func.func @transform_4(%arg0: i32) -> (i32, i32) {
    %sub3A = arith.constant 8 : i32
    %sub3A_0 = arith.subi %arg0, %sub3A : i32
    %jit3A = arith.constant 0 : i32
    %jit3A_1 = arith.constant 12 : i32
    %max3A = arith.maxsi %jit3A, %sub3A_0 : i32
    %min3A = arith.minsi %jit3A_1, %max3A : i32
    %c0_i32 = arith.constant 0 : i32
    %c0_i32_2 = arith.constant 0 : i32
    return %c0_i32, %min3A : i32, i32
  }
  func.func @transform_5(%arg0: i32) -> (i32, i32) {
    %sub3A = arith.constant 21 : i32
    %sub3A_0 = arith.subi %arg0, %sub3A : i32
    %jit3A = arith.constant 0 : i32
    %jit3A_1 = arith.constant 12 : i32
    %max3A = arith.maxsi %jit3A, %sub3A_0 : i32
    %min3A = arith.minsi %jit3A_1, %max3A : i32
    %c0_i32 = arith.constant 0 : i32
    %c0_i32_2 = arith.constant 0 : i32
    return %c0_i32, %min3A : i32, i32
  }
}

</mosaic_0001>

<sc_bundles>
// kernel: kernel.4.cloned.1.call-start
scs
__scs_entry_jumppad:
0x0: {  	(pc) =	sbr.rel $0x88, $3  }
0x1: {  	(tag) =	ssettag $0x0;
	lr =	simm.s32 $0x1  }
0x2: {  	[smem:$0x3F9B] =	sst lr;
	_ =	strace $0xD0000000  }
0x3: {  	_ = 	snop  }
0x4: {  	_ = 	snop  }
0x5: {  	_ = 	snop  }
0x6: {  	_ = 	snop  }
0x7: {  	_ = 	snop  }
__scs_overlays_trampoline_lowered:
0x8: {  	[smem:$0x3FAA] =	sst s0  }
0x9: {  	[smem:$0x3FAB] =	sst s1  }
0xa: {  	[smem:$0x3FAC] =	sst s2  }
0xb: {  	[smem:$0x3FAD] =	sst s3  }
0xc: {  	[smem:$0x3FAE] =	sst s4  }
0xd: {  	[smem:$0x3FAF] =	sst s5  }
0xe: {  	[smem:$0x3FB0] =	sst s6  }
0xf: {  	[smem:$0x3FB1] =	sst s7  }
0x10: {  	[smem:$0x3FB2] =	sst s8  }
0x11: {  	[smem:$0x3FB3] =	sst s9;
	s0 =	simm.s32 @!p0 $0x0  }
0x12: {  	s1 =	sld [smem:$0x3F99];
	s0 =	simm.s32 @p0 $0x1  }
0x13: {  	[smem:$0x3FB4] =	sst s0;
	s0 =	simm.s32 @!p1 $0x0  }
0x14: {  	s2 =	sld [smem:$0x3F98];
	s0 =	simm.s32 @p1 $0x1  }
0x15: {  	[smem:$0x3FB5] =	sst s0;
	s0 =	simm.s32 @!p2 $0x0  }
0x16: {  	s3 =	sld [smem:$0x3FDB];
	s0 =	simm.s32 @p2 $0x1  }
0x17: {  	s4 =	simm.s32 $0x1BF5;
	[smem:$0x3FB7] =	sst s0  }
0x18: {  	s0 =	sld [smem:$0x3F9A];
	_ =	swait.ge [sflag:s4], $0x0  }
0x19: {  	s7 =	sld [smem:$0x3F9B]  }
0x1a: {  	s8 =	sadd.s32 $0xFFFFE003, lr  }
0x1b: {  	s9 =	sadd.s32 $0xFFFFFEF7, lr;
	s5 =	simm.s32 $0xFFFFFFFF;
	p2 =	slt.u32 s8, $0xFFFFF086  }
0x1c: {  	p1 =	slt.u32 s9, $0xF7A;
	s5 =	simm.s32 @!p2 $0x0  }
0x1d: {  	s5 =	simm.s32 @p1 $0x1;
	p0 =	seq.s32 s7, s2  }
0x1e: {  	s7 =	smul.u32 @!p0 $0xF7A, s2;
	p2 =	seq.s32 @!p0 s5, $0x0  }
0x1f: {  	s9 =	smul.u32 $0xF7A, s1;
	s8 =	simm.s32 @!p0 $0x1BF5;
	p2 =	por !p2, p0  }
0x20: {  	[sflag:s8] =	ssyncset.s32 @!p0 $0xFFFFF086;
	s6 =	sadd.s32 @!p0 s3, s7;
	s7 =	simm.s32 @!p0 $0x108  }
0x21: {  	s3 =	sadd.s32 s3, s9;
	s6 =	sadd.s32 @!p0 $0x88, s6;
	s7 =	simm.s32 @p2 $0x1082  }
0x22: {  	[simem:s7], [sflag:s8] =	dma.local @!p0 [hbm:s6], $0xF7A  }
0x23: {  	s9 =	sor.u32 $0xD0000000, s2;
	s6 =	simm.s32 $0x108;
	_ =	swait.ge @!p0 [sflag:s8], $0x0  }
0x24: {  	s3 =	sadd.s32 $0x88, s3;
	s6 =	simm.s32 @!p1 $0x1082;
	[sflag:s4] =	ssyncset.s32 $0xFFFFF086  }
0x25: {  	[simem:s6], [sflag:s4] =	dma.local [hbm:s3], $0xF7A  }
0x26: {  	[smem:$0x3F9B] =	sst s1;
	(tag) =	ssettag s2;
	_ =	strace s9  }
0x27: {  	s1 =	sld [smem:$0x3FAB]  }
0x28: {  	s2 =	sld [smem:$0x3FAC]  }
0x29: {  	s4 =	sld [smem:$0x3FAE]  }
0x2a: {  	p0 =	seq.s32 s5, $0x0;
	s5 =	sld [smem:$0x3FAF]  }
0x2b: {  	s6 =	sld [smem:$0x3FB0]  }
0x2c: {  	s7 =	sld [smem:$0x3FB1]  }
0x2d: {  	s3 =	simm.s32 $0x108;
	s8 =	sld [smem:$0x3FB2]  }
0x2e: {  	s3 =	simm.s32 @!p0 $0x1082;
	s9 =	sld [smem:$0x3FB3]  }
0x2f: {  	lr =	sadd.s32 s0, s3;
	s0 =	sld [smem:$0x3FAA]  }
0x30: {  	s3 =	sld [smem:$0x3FAD]  }
0x31: {  	[smem:$0x3FB6] =	sst s10  }
0x32: {  	s10 =	sld [smem:$0x3FB4];
	_ =	sdelay $0x3  }
0x33: {  	p0 =	seq.s32 s10, $0x1;
	s10 =	sld [smem:$0x3FB6];
	_ =	sdelay $0x3  }
0x34: {  	[smem:$0x3FB6] =	sst s10  }
0x35: {  	s10 =	sld [smem:$0x3FB5];
	_ =	sdelay $0x3  }
0x36: {  	p1 =	seq.s32 s10, $0x1;
	s10 =	sld [smem:$0x3FB6];
	_ =	sdelay $0x3  }
0x37: {  	[smem:$0x3FB6] =	sst s10  }
0x38: {  	s10 =	sld [smem:$0x3FB7]  }
0x39: {  	_ = 	snop;
	(pc) =	sbr.ind lr, $3  }
0x3a: {  	_ = 	snop  }
0x3b: {  	_ = 	snop  }
0x3c: {  	p2 =	seq.s32 s10, $0x1;
	s10 =	sld [smem:$0x3FB6]  }
0x3d: {  	_ =	shalt  }
0x3e: {  	_ =	shalt  }
0x3f: {  	_ =	shalt  }
0x40: {  	_ =	shalt  }
0x41: {  	_ =	shalt  }
0x42: {  	_ =	shalt  }
0x43: {  	_ =	shalt  }
0x44: {  	_ =	shalt  }
0x45: {  	_ =	shalt  }
0x46: {  	_ =	shalt  }
0x47: {  	_ =	shalt  }
0x48: {  	_ =	shalt  }
0x49: {  	_ =	shalt  }
0x4a: {  	_ =	shalt  }
0x4b: {  	_ =	shalt  }
0x4c: {  	_ =	shalt  }
0x4d: {  	_ =	shalt  }
0x4e: {  	_ =	shalt  }
0x4f: {  	_ =	shalt  }
0x50: {  	_ =	shalt  }
0x51: {  	_ =	shalt  }
0x52: {  	_ =	shalt  }
0x53: {  	_ =	shalt  }
0x54: {  	_ =	shalt  }
0x55: {  	_ =	shalt  }
0x56: {  	_ =	shalt  }
0x57: {  	_ =	shalt  }
0x58: {  	_ =	shalt  }
0x59: {  	_ =	shalt  }
0x5a: {  	_ =	shalt  }
0x5b: {  	_ =	shalt  }
0x5c: {  	_ =	shalt  }
0x5d: {  	_ =	shalt  }
0x5e: {  	_ =	shalt  }
0x5f: {  	_ =	shalt  }
0x60: {  	_ =	shalt  }
0x61: {  	_ =	shalt  }
0x62: {  	_ =	shalt  }
0x63: {  	_ =	shalt  }
0x64: {  	_ =	shalt  }
0x65: {  	_ =	shalt  }
0x66: {  	_ =	shalt  }
0x67: {  	_ =	shalt  }
0x68: {  	_ =	shalt  }
0x69: {  	_ =	shalt  }
0x6a: {  	_ =	shalt  }
0x6b: {  	_ =	shalt  }
0x6c: {  	_ =	shalt  }
0x6d: {  	_ =	shalt  }
0x6e: {  	_ =	shalt  }
0x6f: {  	_ =	shalt  }
0x70: {  	_ =	shalt  }
0x71: {  	_ =	shalt  }
0x72: {  	_ =	shalt  }
0x73: {  	_ =	shalt  }
0x74: {  	_ =	shalt  }
0x75: {  	_ =	shalt  }
0x76: {  	_ =	shalt  }
0x77: {  	_ =	shalt  }
0x78: {  	_ =	shalt  }
0x79: {  	_ =	shalt  }
0x7a: {  	_ =	shalt  }
0x7b: {  	_ =	shalt  }
0x7c: {  	_ =	shalt  }
0x7d: {  	_ =	shalt  }
0x7e: {  	_ =	shalt  }
0x7f: {  	_ =	shalt  }
0x80: {  	_ =	shalt  }
0x81: {  	_ =	shalt  }
0x82: {  	_ =	shalt  }
0x83: {  	_ =	shalt  }
0x84: {  	_ =	shalt  }
0x85: {  	_ =	shalt  }
0x86: {  	_ =	shalt  }
0x87: {  	_ =	shalt  }
.Lfunc_end0:
.L_simem_size_0:
called_computation_lowered:
.L_overlay_start_0:
0x88: {  	s0 =	sld [smem:$0x3FD9]  }
0x89: {  	s1 =	sld [smem:$0x3FFE];
	_ =	sdelay $0x3  }
0x8a: {  	s0 =	sadd.s32 s1, s0  }
0x8b: {  	[smem:$0x3FC2] =	sst s0  }
0x8c: {  	_ = 	snop  }
0x8d: {  	s0 =	sld [smem:$0x3FC8]  }
0x8e: {  	s16 =	sld [smem:$0x3FD0];
	(tm) =	ssettm $0x1  }
0x8f: {  	s2 =	sld [smem:$0x3FFB];
	_ =	sdelay $0x3  }
0x90: {  	_ =	strace s2  }
0x91: {  	s2 =	sld [smem:$0x3FFC];
	_ =	sdelay $0x3  }
0x92: {  	_ =	strace s2  }
0x93: {  	s2 =	sld [smem:$0x3FFD];
	_ =	sdelay $0x3  }
0x94: {  	_ =	strace s2  }
0x95: {  	_ =	strace $0x8FFFFFFF  }
0x96: {  	s17 =	sld [smem:$0x3FDB];
	_ =	sdelay $0x1  }
0x97: {  	s3 =	simm.s32 $_scs_section_size  }
0x98: {  	s4 =	simm.s32 $_size__tile_overlayer_lowered;
	s5 =	simm.s32 $_tile_overlayer_lowered  }
0x99: {  	s20 =	simm.s32 $0x1BFF;
	s19 =	sshll.u32 s5, $0x1;
	s2 =	sadd.s32 s3, s17  }
0x9a: {  	s6 =	simm.s32 $0x0;
	s18 =	sshll.u32 s4, $0x1;
	s4 =	sadd.s32 s19, s2  }
0x9b: {  	[timem:s6], [sflag:s20] =	dma.local [hbm:s4], s18  }
0x9c: {  	_ =	swait.ge [sflag:s20], s18  }
0x9d: {  	s3 =	ssub.s32 $0x0, s18;
	[sflag:s20] =	ssyncset.done $0x0  }
0x9e: {  	[sflag:s20] =	ssyncadd.s32 s3;
	_ =	sdelay $0x1  }
0x9f: {  	s21 =	simm.s32 $0x1B8B  }
0xa0: {  	_ =	swait.ge [sflag:s21], $0x1  }
0xa1: {  	[sflag:s21] =	ssyncset.done $0x0  }
0xa2: {  	s23 =	simm.s32 $0x1B8E;
	s22 =	sld [smem:$0x3FFE];
	[sflag:s21] =	ssyncadd.s32 $0xFFFFFFFF  }
0xa3: {  	s24 =	simm.s32 $execute0_lowered;
	[smem:$0x3FD2] =	sst s23  }
0xa4: {  	s4 =	sshll.u32 s24, $0x1;
	_ =	strace $0x80000046;
	[dreg:$0x1] =	wrdreg $0xFFFFFFFF  }
0xa5: {  	s25 =	simm.s32 $_size_execute0_lowered;
	s2 =	sadd.s32 s2, s4;
	[dreg:$0x0] =	wrdreg $0x0  }
0xa6: {  	s4 =	sshll.u32 s25, $0x1;
	[dreg:$0x2] =	wrdreg s2  }
0xa7: {  	[dreg:$0x3] =	wrdreg s4  }
0xa8: {  	[dreg:$0x4] =	wrdreg $0xC0  }
0xa9: {  	_ =	task [dreg:s6], $0x5FFFF  }
0xaa: {  	[dreg:$0x1] =	wrdreg $0xFFFFFFFF  }
0xab: {  	[dreg:$0x0] =	wrdreg $0x60  }
0xac: {  	[dreg:$0x2] =	wrdreg s22  }
0xad: {  	[dreg:$0x3] =	wrdreg s0  }
0xae: {  	[dreg:$0x4] =	wrdreg s16  }
0xaf: {  	[dreg:$0x5] =	wrdreg $0x9  }
0xb0: {  	_ =	task.clear_ibuf [dreg:s6], $0x6FFFF;
	_ =	strace $0x90000046  }
0xb1: {  	s26 =	simm.s32 $0x9;
	_ =	strace $0x80000048  }
0xb2: {  	_ =	swait.ge [sflag:s26], $0x1  }
0xb3: {  	[sflag:s26] =	ssyncadd.s32 $0xFFFFFFFF  }
0xb4: {  	_ =	strace $0x90000048  }
0xb5: {  	_ =	sfence  }
0xb6: {  	s28 =	sld [smem:$0x0];
	_ =	sdelay $0x1  }
0xb7: {  	s29 =	srdreg.scid  }
0xb8: {  	s30 =	sshll.u32 s29, $0xD;
	s31 =	sshrl.u32 s29, $0x2  }
0xb9: {  	s1 =	sand.u32 $0x1, s29;
	s2 =	sand.u32 $0x4000, s30;
	s0 =	sadd.s32 s31, s28  }
0xba: {  	s1 =	sor.u32 s2, s1;
	s0 =	sshll.u32 s0, $0x11  }
0xbb: {  	s0 =	sor.u32 s0, s1  }
0xbc: {  	s0 =	sadd.s32 $0x8F2B, s0  }
0xbd: {  	[sflag:s0] =	ssyncadd.remote.s32 $0x1  }
0xbe: {  	_ =	sfence.sel $0xFFFF  }
0xbf: {  	[dreg:$0x0] =	wrdreg $0xFFFFFFFF;
	(pc) =	sbr.abs _section_cstart, $3  }
0xc0: {  	[dreg:$0x1] =	wrdreg $0xFFFFFFFF  }
0xc1: {  	_ =	task.clear_ibuf [dreg:s6], $0x2FFFF;
	_ =	strace $0x9FFFFFFF  }
0xc2: {  	(tm) =	ssettm $0x7FFFFFFF  }
0xc3: {  	_ =	shalt  }
tec
execute0_lowered:
.L_overlay_start_1:
0x0: {  	(tag) =	ssettag $0x1  }
0x1: {  	s0 =	rddreg [dreg:$0x0]  }
0x2: {  	s1 =	rddreg [dreg:$0x1]  }
0x3: {  	s2 =	rddreg [dreg:$0x2];
	s3 =	stileid.u32  }
0x4: {  	s4 =	rddreg [dreg:$0x3];
	s5 =	simm.s32 $0x0;
	s6 =	sshll.u32 s3, $0x1  }
0x5: {  	[smem:$0x7FF] =	sst s5;
	s0 =	sadd.s32 s6, s0  }
0x6: {  	s28 =	simm.s32 $0x2;
	_ =	strace $0x80000047;
	s0 =	sadd.s32 $0x1800, s0  }
0x7: {  	[tilespmem:s5], [sflag:$0x2] =	stream.linear.gather [hbm4b:s0+s5], $0x10, $0x38;
	[tilespmem:$0x880] =	vst v63  }
0x8: {  	_ =	swait.ge [sflag:s28], $0x10  }
0x9: {  	s29 =	simm.s32 $0x10;
	[sflag:s28] =	ssyncset.done $0x0  }
0xa: {  	s7 =	simm.s32 $0x80;
	s30 =	simm.s32 $0x1;
	[sflag:s28] =	ssyncadd.s32 $0xFFFFFFF0  }
0xb: {  	[tilespmem:s7], [sflag:$0x1] =	stream.indirect.gather [hbm4b:s1+s29], $0x80, s5, s29, $0xb8;
	[tilespmem:$0x880] =	vst v63  }
0xc: {  	_ =	swait.ge [sflag:s30], $0x800  }
0xd: {  	s31 =	sshll.u32 s3, $0x8;
	[sflag:s30] =	ssyncset.done $0x0  }
0xe: {  	s2 =	sadd.s32 s2, s31;
	[sflag:s30] =	ssyncadd.s32 $0xFFFFF800  }
0xf: {  	[hbm4b:s2+s5] =	stream.linear.scatter [tilespmem:s7], [sflag:$0x2], $0x800, $0x38;
	[tilespmem:$0x880] =	vst v63  }
0x10: {  	_ =	swait.ge [sflag:s28], $0x800  }
0x11: {  	[sflag:s28] =	ssyncset.done $0x0  }
0x12: {  	[sflag:s28] =	ssyncadd.s32 $0xFFFFF800  }
0x13: {  	_ =	sfence.sel $0x180000  }
0x14: {  	[bflag:$0x0] =	sbarrier.arrive $0xFFFF  }
0x15: {  	p0 =	sne.s32 s3, $0x0;
	_ =	strace $0x90000047  }
0x16: {  	s0 =	sadd.s32 @!p0 $0x100000, s4;
	[bflag:$0x2] =	sbarrier.arrive $0xFFFF  }
0x17: {  	[sflag:s0] =	ssyncadd.tile.s32 @!p0 $0x1;
	_ =	shalt  }
.Lfunc_end2:
_tile_overlayer_lowered:
.L_overlay_start_2:
0x18: {  	(tag) =	ssettag $0x2  }
0x19: {  	s0 =	rddreg [dreg:$0x0];
	s2 =	stileid.u32  }
0x1a: {  	s1 =	rddreg [dreg:$0x1];
	p0 =	sne.s32 s2, $0x0  }
0x1b: {  	s3 =	rddreg [dreg:$0x2];
	[bflag:$0x3] =	sbarrier.arrive $0xFFFF;
	s2 =	simm.s32 @!p0 $0x1C02  }
0x1c: {  	[timem:s3], [sflag:s2] =	dma.local @!p0 [hbm:s0], s1  }
0x1d: {  	s0 =	simm.s32 @!p0 $0x2  }
0x1e: {  	_ =	swait.ge @!p0 [sflag:s0], s1  }
0x1f: {  	s1 =	ssub.s32 @!p0 $0x0, s1;
	[sflag:s0] =	ssyncset.done @!p0 $0x0  }
0x20: {  	[sflag:s0] =	ssyncadd.s32 @!p0 s1  }
0x21: {  	[bflag:$0x3] =	sbarrier.arrive $0xFFFF  }
0x22: {  	_ =	shalt  }

</sc_bundles>
